<compile_context>
chip_gen: v7x
topology: tpu7x:2x2x1
jax: 0.10.2.dev20260603
libtpu: 0.0.44.dev20260713+nightly
codegen_flags: <defaults>
</compile_context>

<pallas_src>
import functools

import jax
import jax.numpy as jnp
import numpy as np
from jax import lax
from jax.experimental import pallas as pl
from jax.experimental.pallas import tpu as pltpu
from jax.experimental.pallas import tpu_sc as plsc

_ROW0 = 192
_ROWS = 128
_COL0 = 128
_COLS = 256
_CX, _CY, _R, _H, _W = 256, 256, 64, 512, 512


def _points_through_row(r):
    rows = np.arange(_H)[: r + 1]
    d2 = 1.0 - ((rows - _CX) / float(_R)) ** 2
    cols = np.arange(_W)
    width = ((cols[None, :] - _CY) / float(_R)) ** 2 < d2[:, None]
    return int(width.sum())


def _make_gather_partials(B, NPAD):
    NW = NPAD // 2
    NU = NPAD // 64
    S1 = 72
    PH1 = min(_points_through_row(_ROW0 + S1 - 1) // 64, NU)
    mesh = plsc.VectorSubcoreMesh(core_axis_name="c", subcore_axis_name="s")

    @functools.partial(
        pl.kernel,
        mesh=mesh,
        compiler_params=pltpu.CompilerParams(needs_layout_passes=False),
        out_type=jax.ShapeDtypeStruct((B, 16), jnp.float32),
        scratch_types=[
            pltpu.VMEM((_ROWS, _COLS), jnp.float32),
            pltpu.VMEM((NW,), jnp.int32),
            pltpu.VMEM((16,), jnp.float32),
            pltpu.SemaphoreType.DMA,
            pltpu.SemaphoreType.DMA,
            pltpu.SemaphoreType.DMA,
        ],
    )
    def gather_partials(m_hbm, pk_hbm, part_hbm, win, pk, accv,
                        sem_i, sem_1, sem_2):
        c = lax.axis_index("c")
        s = lax.axis_index("s")
        wid = s * 2 + c
        cp_i = pltpu.async_copy(pk_hbm, pk, sem_i)
        cp_1 = pltpu.async_copy(
            m_hbm.at[wid, 0, pl.ds(_ROW0, S1), pl.ds(_COL0, _COLS)],
            win.at[pl.ds(0, S1)], sem_1)
        cp_2 = pltpu.async_copy(
            m_hbm.at[wid, 0, pl.ds(_ROW0 + S1, _ROWS - S1),
                     pl.ds(_COL0, _COLS)],
            win.at[pl.ds(S1, _ROWS - S1)], sem_2)
        cp_i.wait()
        cp_1.wait()
        win[0, pl.ds(0, 16)] = jnp.zeros((16,), jnp.float32)

        def gat(lin, a):
            return a + plsc.load_gather(
                win, [lax.shift_right_logical(lin, 8),
                      jnp.bitwise_and(lin, 255)])

        def step(i, accs):
            a0, a1, a2, a3 = accs
            base = i * 32
            p0 = pk[pl.ds(base, 16)]
            p1 = pk[pl.ds(base + 16, 16)]
            a0 = gat(jnp.bitwise_and(p0, 0xFFFF), a0)
            a1 = gat(lax.shift_right_logical(p0, 16), a1)
            a2 = gat(jnp.bitwise_and(p1, 0xFFFF), a2)
            a3 = gat(lax.shift_right_logical(p1, 16), a3)
            return (a0, a1, a2, a3)

        z = jnp.zeros((16,), jnp.float32)
        accs = lax.fori_loop(0, PH1, step, (z, z, z, z))
        cp_2.wait()
        a0, a1, a2, a3 = lax.fori_loop(PH1, NU, step, accs)
        accv[...] = (a0 + a1) + (a2 + a3)
        pltpu.sync_copy(accv, part_hbm.at[wid])

    return gather_partials


def _reduce_square(part):
    def body(p_ref, o_ref):
        t = jnp.sum(p_ref[...])
        o_ref[...] = (t * t).reshape(1, 1)

    return pl.pallas_call(
        body,
        out_shape=jax.ShapeDtypeStruct((1, 1), jnp.float32),
    )(part)


def kernel(m, x, y):
    B, C, H, W = m.shape
    NP = x.shape[0]
    NPAD = ((NP + 63) // 64) * 64
    lin = (x - _ROW0) * _COLS + (y - _COL0)
    lin = jnp.pad(lin, (0, NPAD - NP))
    packed = lin[0::2] | (lin[1::2] << 16)
    part = _make_gather_partials(B, NPAD)(m, packed)
    return _reduce_square(part).reshape(1)

# --- scband reference (transcript-rebuilt; emitter-appended) ---
"""Pipeline reference for scband-wave-intensity-probe-disk-13889924235748 (READ-ONLY COPY).

The authoritative reference and input builder live on the scoring server;
editing this copy changes nothing except your own understanding.
"""

import jax, jax.numpy as jnp
import numpy as np


def _disk_coords(cx, cy, r, shape):
    # Faithful to skimage.draw.disk -> skimage.draw.ellipse: strict '< 1' condition
    rr, cc = np.mgrid[0:shape[0], 0:shape[1]]
    dist = ((rr - cx) / float(r)) ** 2 + ((cc - cy) / float(r)) ** 2
    xs, ys = np.nonzero(dist < 1.0)
    return xs.astype(np.int64), ys.astype(np.int64)


def setup_inputs(seed: int = 0) -> dict:
    key = jax.random.key(seed)
    B, C, H, W = 32, 1, 512, 512
    m = jax.random.normal(key, (B, C, H, W), dtype=jnp.float32)
    xs, ys = _disk_coords(256, 256, 64, (H, W))
    x = jnp.asarray(xs, dtype=jnp.int32)
    y = jnp.asarray(ys, dtype=jnp.int32)
    return {"m": m, "x": x, "y": y}


def reference(m, x, y):
    # WaveProbe.forward: gather m[:, 0, x, y] -> [B, n_points]
    readings = m[:, 0, x, y]
    # probe_mesure_method == 'sum': readings.sum().pow(2).unsqueeze(0)
    out = jnp.sum(readings) ** 2
    return out[None]

if __name__ == "__main__":
    import jax
    _d = setup_inputs()
    print(jax.jit(kernel)(*tuple(_d.values())))

</pallas_src>

<mosaic_0001>
#map = affine_map<(d0, d1) -> (0, 0, 0, 0)>
#map1 = affine_map<(d0, d1) -> (0)>
#map2 = affine_map<(d0, d1) -> (0, 0)>
module attributes {stable_mosaic.version = 14 : i64} {
  func.func @gather_partials(%arg0: i32, %arg1: i32, %arg2: memref<32x1x512x512xf32, #tpu.memory_space<hbm>>, %arg3: memref<6432xi32, #tpu.memory_space<hbm>>, %arg4: memref<32x16xf32, #tpu.memory_space<hbm>>, %arg5: memref<128x256xf32, #tpu.memory_space<vmem>>, %arg6: memref<6432xi32, #tpu.memory_space<vmem>>, %arg7: memref<16xf32, #tpu.memory_space<vmem>>, %arg8: memref<!tpu.dma_semaphore, #tpu.memory_space<semaphore_mem>>, %arg9: memref<!tpu.dma_semaphore, #tpu.memory_space<semaphore_mem>>, %arg10: memref<!tpu.dma_semaphore, #tpu.memory_space<semaphore_mem>>) attributes {dimension_semantics = [#tpu.dimension_semantics<core_parallel>, #tpu.dimension_semantics<subcore_parallel>], iteration_bounds = array<i64: 2, 16>, scalar_prefetch = 0 : i64, scratch_operands = 6 : i64, tpu.core_type = #tpu.core_type<sc_vector_subcore>, window_params = [{transform_indices = #map}, {transform_indices = #map1}, {transform_indices = #map2}]} {
    %mul3A = arith.constant 2 : i32
    %mul3A_0 = arith.muli %arg1, %mul3A : i32
    %add3A = arith.addi %mul3A_0, %arg0 : i32
    tpu.enqueue_dma source(%arg3 : memref<6432xi32, #tpu.memory_space<hbm>>) target(%arg6 : memref<6432xi32, #tpu.memory_space<vmem>>) target_semaphore(%arg8 : memref<!tpu.dma_semaphore, #tpu.memory_space<semaphore_mem>>)
    %dma_start3A = arith.constant 0 : i32
    %dma_start3A_1 = arith.constant 0 : i32
    %dma_start3A_2 = arith.constant 0 : i32
    %dma_start3A_3 = tpu.memref_slice %arg5[%dma_start3A_1, %dma_start3A_2] : memref<128x256xf32, #tpu.memory_space<vmem>> -> memref<72x256xf32, #tpu.memory_space<vmem>>
    %dma_start3A_4 = arith.constant 192 : i32
    %dma_start3A_5 = arith.constant 128 : i32
    %dma_start3A_6 = tpu.memref_slice %arg2[%add3A, %dma_start3A, %dma_start3A_4, %dma_start3A_5] : memref<32x1x512x512xf32, #tpu.memory_space<hbm>> -> memref<1x1x72x256xf32, #tpu.memory_space<hbm>>
    %dma_start3A_7 = tpu.memref_squeeze %dma_start3A_6 : memref<1x1x72x256xf32, #tpu.memory_space<hbm>> -> memref<72x256xf32, #tpu.memory_space<hbm>>
    %dma_start3A_8 = arith.constant 0 : i32
    %dma_start3A_9 = arith.constant 0 : i32
    %dma_start3A_10 = tpu.memref_slice %arg5[%dma_start3A_8, %dma_start3A_9] : memref<128x256xf32, #tpu.memory_space<vmem>> -> memref<72x256xf32, #tpu.memory_space<vmem>>
    %dma_start3A_11 = arith.constant 192 : i32
    %dma_start3A_12 = arith.constant 128 : i32
    %dma_start3A_13 = tpu.memref_slice %arg2[%add3A, %dma_start3A, %dma_start3A_11, %dma_start3A_12] : memref<32x1x512x512xf32, #tpu.memory_space<hbm>> -> memref<1x1x72x256xf32, #tpu.memory_space<hbm>>
    %dma_start3A_14 = tpu.memref_squeeze %dma_start3A_13 : memref<1x1x72x256xf32, #tpu.memory_space<hbm>> -> memref<72x256xf32, #tpu.memory_space<hbm>>
    tpu.enqueue_dma source(%dma_start3A_14 : memref<72x256xf32, #tpu.memory_space<hbm>>) target(%dma_start3A_10 : memref<72x256xf32, #tpu.memory_space<vmem>>) target_semaphore(%arg9 : memref<!tpu.dma_semaphore, #tpu.memory_space<semaphore_mem>>)
    %dma_start3A_15 = arith.constant 0 : i32
    %dma_start3A_16 = arith.constant 72 : i32
    %dma_start3A_17 = arith.constant 0 : i32
    %dma_start3A_18 = tpu.memref_slice %arg5[%dma_start3A_16, %dma_start3A_17] : memref<128x256xf32, #tpu.memory_space<vmem>> -> memref<56x256xf32, #tpu.memory_space<vmem>>
    %dma_start3A_19 = arith.constant 264 : i32
    %dma_start3A_20 = arith.constant 128 : i32
    %dma_start3A_21 = tpu.memref_slice %arg2[%add3A, %dma_start3A_15, %dma_start3A_19, %dma_start3A_20] : memref<32x1x512x512xf32, #tpu.memory_space<hbm>> -> memref<1x1x56x256xf32, #tpu.memory_space<hbm>>
    %dma_start3A_22 = tpu.memref_squeeze %dma_start3A_21 : memref<1x1x56x256xf32, #tpu.memory_space<hbm>> -> memref<56x256xf32, #tpu.memory_space<hbm>>
    %dma_start3A_23 = arith.constant 72 : i32
    %dma_start3A_24 = arith.constant 0 : i32
    %dma_start3A_25 = tpu.memref_slice %arg5[%dma_start3A_23, %dma_start3A_24] : memref<128x256xf32, #tpu.memory_space<vmem>> -> memref<56x256xf32, #tpu.memory_space<vmem>>
    %dma_start3A_26 = arith.constant 264 : i32
    %dma_start3A_27 = arith.constant 128 : i32
    %dma_start3A_28 = tpu.memref_slice %arg2[%add3A, %dma_start3A_15, %dma_start3A_26, %dma_start3A_27] : memref<32x1x512x512xf32, #tpu.memory_space<hbm>> -> memref<1x1x56x256xf32, #tpu.memory_space<hbm>>
    %dma_start3A_29 = tpu.memref_squeeze %dma_start3A_28 : memref<1x1x56x256xf32, #tpu.memory_space<hbm>> -> memref<56x256xf32, #tpu.memory_space<hbm>>
    tpu.enqueue_dma source(%dma_start3A_29 : memref<56x256xf32, #tpu.memory_space<hbm>>) target(%dma_start3A_25 : memref<56x256xf32, #tpu.memory_space<vmem>>) target_semaphore(%arg10 : memref<!tpu.dma_semaphore, #tpu.memory_space<semaphore_mem>>)
    tpu.wait_dma2 semaphore(%arg8 : memref<!tpu.dma_semaphore, #tpu.memory_space<semaphore_mem>>) src(%arg3 : memref<6432xi32, #tpu.memory_space<hbm>>) dst(%arg6 : memref<6432xi32, #tpu.memory_space<vmem>>)
    %dma_wait3A = arith.constant 0 : i32
    %dma_wait3A_30 = arith.constant 0 : i32
    %dma_wait3A_31 = arith.constant 0 : i32
    %dma_wait3A_32 = tpu.memref_slice %arg5[%dma_wait3A_30, %dma_wait3A_31] : memref<128x256xf32, #tpu.memory_space<vmem>> -> memref<72x256xf32, #tpu.memory_space<vmem>>
    %dma_wait3A_33 = arith.constant 192 : i32
    %dma_wait3A_34 = arith.constant 128 : i32
    %dma_wait3A_35 = tpu.memref_slice %arg2[%add3A, %dma_wait3A, %dma_wait3A_33, %dma_wait3A_34] : memref<32x1x512x512xf32, #tpu.memory_space<hbm>> -> memref<1x1x72x256xf32, #tpu.memory_space<hbm>>
    %dma_wait3A_36 = tpu.memref_squeeze %dma_wait3A_35 : memref<1x1x72x256xf32, #tpu.memory_space<hbm>> -> memref<72x256xf32, #tpu.memory_space<hbm>>
    %dma_wait3A_37 = arith.constant 0 : i32
    %dma_wait3A_38 = arith.constant 0 : i32
    %dma_wait3A_39 = tpu.memref_slice %arg5[%dma_wait3A_37, %dma_wait3A_38] : memref<128x256xf32, #tpu.memory_space<vmem>> -> memref<72x256xf32, #tpu.memory_space<vmem>>
    %dma_wait3A_40 = arith.constant 192 : i32
    %dma_wait3A_41 = arith.constant 128 : i32
    %dma_wait3A_42 = tpu.memref_slice %arg2[%add3A, %dma_wait3A, %dma_wait3A_40, %dma_wait3A_41] : memref<32x1x512x512xf32, #tpu.memory_space<hbm>> -> memref<1x1x72x256xf32, #tpu.memory_space<hbm>>
    %dma_wait3A_43 = tpu.memref_squeeze %dma_wait3A_42 : memref<1x1x72x256xf32, #tpu.memory_space<hbm>> -> memref<72x256xf32, #tpu.memory_space<hbm>>
    tpu.wait_dma2 semaphore(%arg9 : memref<!tpu.dma_semaphore, #tpu.memory_space<semaphore_mem>>) src(%dma_wait3A_43 : memref<72x256xf32, #tpu.memory_space<hbm>>) dst(%dma_wait3A_39 : memref<72x256xf32, #tpu.memory_space<vmem>>)
    %broadcast_in_dim3A = arith.constant 0.000000e+00 : f32
    %broadcast_in_dim3A_44 = vector.broadcast %broadcast_in_dim3A : f32 to vector<16xf32>
    %swap3A = arith.constant 0 : i32
    %swap3A_45 = arith.index_cast %swap3A : i32 to index
    %swap3A_46 = arith.constant 0 : index
    %swap3A_47 = tpu.vector_load %arg5[%swap3A_45, %swap3A_46] {strides = array<i32>} : memref<128x256xf32, #tpu.memory_space<vmem>>, vector<16xf32>,
    tpu.vector_store %arg5[%swap3A_45, %swap3A_46], %broadcast_in_dim3A_44 {strides = array<i32>} : memref<128x256xf32, #tpu.memory_space<vmem>>, vector<16xf32>,
    %broadcast_in_dim3A_48 = arith.constant 0.000000e+00 : f32
    %broadcast_in_dim3A_49 = vector.broadcast %broadcast_in_dim3A_48 : f32 to vector<16xf32>
    %scan3A = arith.constant 0 : i32
    %scan3A_50 = arith.constant 115 : i32
    %scan3A_51 = arith.addi %scan3A, %scan3A_50 : i32
    %scan3A_52 = arith.constant 1 : i32
    %scan3A_53:4 = scf.for %scan3A_81 = %scan3A to %scan3A_51 step %scan3A_52 iter_args(%scan3A_82 = %broadcast_in_dim3A_49, %scan3A_83 = %broadcast_in_dim3A_49, %scan3A_84 = %broadcast_in_dim3A_49, %scan3A_85 = %broadcast_in_dim3A_49) -> (vector<16xf32>, vector<16xf32>, vector<16xf32>, vector<16xf32>)  : i32 {
      %mul3A_86 = arith.constant 32 : i32
      %mul3A_87 = arith.muli %scan3A_81, %mul3A_86 : i32
      %get3A = arith.index_cast %mul3A_87 : i32 to index
      %get3A_88 = tpu.vector_load %arg6[%get3A] {strides = array<i32>} : memref<6432xi32, #tpu.memory_space<vmem>>, vector<16xi32>,
      %add3A_89 = arith.constant 16 : i32
      %add3A_90 = arith.addi %mul3A_87, %add3A_89 : i32
      %get3A_91 = arith.index_cast %add3A_90 : i32 to index
      %get3A_92 = tpu.vector_load %arg6[%get3A_91] {strides = array<i32>} : memref<6432xi32, #tpu.memory_space<vmem>>, vector<16xi32>,
      %and3A = arith.constant 65535 : i32
      %and3A_93 = vector.broadcast %and3A : i32 to vector<16xi32>
      %and3A_94 = arith.andi %get3A_88, %and3A_93 : vector<16xi32>
      %shift_right_logical3A = arith.constant 8 : i32
      %shift_right_logical3A_95 = vector.broadcast %shift_right_logical3A : i32 to vector<16xi32>
      %shift_right_logical3A_96 = arith.shrui %and3A_94, %shift_right_logical3A_95 : vector<16xi32>
      %and3A_97 = arith.constant 255 : i32
      %and3A_98 = vector.broadcast %and3A_97 : i32 to vector<16xi32>
      %and3A_99 = arith.andi %and3A_94, %and3A_98 : vector<16xi32>
      %gather3A = tpu.vector_load_idx %arg5[%shift_right_logical3A_96, %and3A_99] : memref<128x256xf32, #tpu.memory_space<vmem>>[vector<16xi32>, vector<16xi32>], vector<16xf32>,
      %add3A_100 = arith.addf %scan3A_82, %gather3A : vector<16xf32>
      %shift_right_logical3A_101 = arith.constant 16 : i32
      %shift_right_logical3A_102 = vector.broadcast %shift_right_logical3A_101 : i32 to vector<16xi32>
      %shift_right_logical3A_103 = arith.shrui %get3A_88, %shift_right_logical3A_102 : vector<16xi32>
      %shift_right_logical3A_104 = arith.constant 8 : i32
      %shift_right_logical3A_105 = vector.broadcast %shift_right_logical3A_104 : i32 to vector<16xi32>
      %shift_right_logical3A_106 = arith.shrui %shift_right_logical3A_103, %shift_right_logical3A_105 : vector<16xi32>
      %and3A_107 = arith.constant 255 : i32
      %and3A_108 = vector.broadcast %and3A_107 : i32 to vector<16xi32>
      %and3A_109 = arith.andi %shift_right_logical3A_103, %and3A_108 : vector<16xi32>
      %gather3A_110 = tpu.vector_load_idx %arg5[%shift_right_logical3A_106, %and3A_109] : memref<128x256xf32, #tpu.memory_space<vmem>>[vector<16xi32>, vector<16xi32>], vector<16xf32>,
      %add3A_111 = arith.addf %scan3A_83, %gather3A_110 : vector<16xf32>
      %and3A_112 = arith.constant 65535 : i32
      %and3A_113 = vector.broadcast %and3A_112 : i32 to vector<16xi32>
      %and3A_114 = arith.andi %get3A_92, %and3A_113 : vector<16xi32>
      %shift_right_logical3A_115 = arith.constant 8 : i32
      %shift_right_logical3A_116 = vector.broadcast %shift_right_logical3A_115 : i32 to vector<16xi32>
      %shift_right_logical3A_117 = arith.shrui %and3A_114, %shift_right_logical3A_116 : vector<16xi32>
      %and3A_118 = arith.constant 255 : i32
      %and3A_119 = vector.broadcast %and3A_118 : i32 to vector<16xi32>
      %and3A_120 = arith.andi %and3A_114, %and3A_119 : vector<16xi32>
      %gather3A_121 = tpu.vector_load_idx %arg5[%shift_right_logical3A_117, %and3A_120] : memref<128x256xf32, #tpu.memory_space<vmem>>[vector<16xi32>, vector<16xi32>], vector<16xf32>,
      %add3A_122 = arith.addf %scan3A_84, %gather3A_121 : vector<16xf32>
      %shift_right_logical3A_123 = arith.constant 16 : i32
      %shift_right_logical3A_124 = vector.broadcast %shift_right_logical3A_123 : i32 to vector<16xi32>
      %shift_right_logical3A_125 = arith.shrui %get3A_92, %shift_right_logical3A_124 : vector<16xi32>
      %shift_right_logical3A_126 = arith.constant 8 : i32
      %shift_right_logical3A_127 = vector.broadcast %shift_right_logical3A_126 : i32 to vector<16xi32>
      %shift_right_logical3A_128 = arith.shrui %shift_right_logical3A_125, %shift_right_logical3A_127 : vector<16xi32>
      %and3A_129 = arith.constant 255 : i32
      %and3A_130 = vector.broadcast %and3A_129 : i32 to vector<16xi32>
      %and3A_131 = arith.andi %shift_right_logical3A_125, %and3A_130 : vector<16xi32>
      %gather3A_132 = tpu.vector_load_idx %arg5[%shift_right_logical3A_128, %and3A_131] : memref<128x256xf32, #tpu.memory_space<vmem>>[vector<16xi32>, vector<16xi32>], vector<16xf32>,
      %add3A_133 = arith.addf %scan3A_85, %gather3A_132 : vector<16xf32>
      scf.yield %add3A_100, %add3A_111, %add3A_122, %add3A_133 : vector<16xf32>, vector<16xf32>, vector<16xf32>, vector<16xf32>
    }
    %scan3A_54 = arith.constant 115 : i32
    %dma_wait3A_55 = arith.constant 0 : i32
    %dma_wait3A_56 = arith.constant 72 : i32
    %dma_wait3A_57 = arith.constant 0 : i32
    %dma_wait3A_58 = tpu.memref_slice %arg5[%dma_wait3A_56, %dma_wait3A_57] : memref<128x256xf32, #tpu.memory_space<vmem>> -> memref<56x256xf32, #tpu.memory_space<vmem>>
    %dma_wait3A_59 = arith.constant 264 : i32
    %dma_wait3A_60 = arith.constant 128 : i32
    %dma_wait3A_61 = tpu.memref_slice %arg2[%add3A, %dma_wait3A_55, %dma_wait3A_59, %dma_wait3A_60] : memref<32x1x512x512xf32, #tpu.memory_space<hbm>> -> memref<1x1x56x256xf32, #tpu.memory_space<hbm>>
    %dma_wait3A_62 = tpu.memref_squeeze %dma_wait3A_61 : memref<1x1x56x256xf32, #tpu.memory_space<hbm>> -> memref<56x256xf32, #tpu.memory_space<hbm>>
    %dma_wait3A_63 = arith.constant 72 : i32
    %dma_wait3A_64 = arith.constant 0 : i32
    %dma_wait3A_65 = tpu.memref_slice %arg5[%dma_wait3A_63, %dma_wait3A_64] : memref<128x256xf32, #tpu.memory_space<vmem>> -> memref<56x256xf32, #tpu.memory_space<vmem>>
    %dma_wait3A_66 = arith.constant 264 : i32
    %dma_wait3A_67 = arith.constant 128 : i32
    %dma_wait3A_68 = tpu.memref_slice %arg2[%add3A, %dma_wait3A_55, %dma_wait3A_66, %dma_wait3A_67] : memref<32x1x512x512xf32, #tpu.memory_space<hbm>> -> memref<1x1x56x256xf32, #tpu.memory_space<hbm>>
    %dma_wait3A_69 = tpu.memref_squeeze %dma_wait3A_68 : memref<1x1x56x256xf32, #tpu.memory_space<hbm>> -> memref<56x256xf32, #tpu.memory_space<hbm>>
    tpu.wait_dma2 semaphore(%arg10 : memref<!tpu.dma_semaphore, #tpu.memory_space<semaphore_mem>>) src(%dma_wait3A_69 : memref<56x256xf32, #tpu.memory_space<hbm>>) dst(%dma_wait3A_65 : memref<56x256xf32, #tpu.memory_space<vmem>>)
    %scan3A_70 = arith.constant 115 : i32
    %scan3A_71 = arith.constant 86 : i32
    %scan3A_72 = arith.addi %scan3A_70, %scan3A_71 : i32
    %scan3A_73 = arith.constant 1 : i32
    %scan3A_74:4 = scf.for %scan3A_81 = %scan3A_70 to %scan3A_72 step %scan3A_73 iter_args(%scan3A_82 = %scan3A_53#0, %scan3A_83 = %scan3A_53#1, %scan3A_84 = %scan3A_53#2, %scan3A_85 = %scan3A_53#3) -> (vector<16xf32>, vector<16xf32>, vector<16xf32>, vector<16xf32>)  : i32 {
      %mul3A_86 = arith.constant 32 : i32
      %mul3A_87 = arith.muli %scan3A_81, %mul3A_86 : i32
      %get3A = arith.index_cast %mul3A_87 : i32 to index
      %get3A_88 = tpu.vector_load %arg6[%get3A] {strides = array<i32>} : memref<6432xi32, #tpu.memory_space<vmem>>, vector<16xi32>,
      %add3A_89 = arith.constant 16 : i32
      %add3A_90 = arith.addi %mul3A_87, %add3A_89 : i32
      %get3A_91 = arith.index_cast %add3A_90 : i32 to index
      %get3A_92 = tpu.vector_load %arg6[%get3A_91] {strides = array<i32>} : memref<6432xi32, #tpu.memory_space<vmem>>, vector<16xi32>,
      %and3A = arith.constant 65535 : i32
      %and3A_93 = vector.broadcast %and3A : i32 to vector<16xi32>
      %and3A_94 = arith.andi %get3A_88, %and3A_93 : vector<16xi32>
      %shift_right_logical3A = arith.constant 8 : i32
      %shift_right_logical3A_95 = vector.broadcast %shift_right_logical3A : i32 to vector<16xi32>
      %shift_right_logical3A_96 = arith.shrui %and3A_94, %shift_right_logical3A_95 : vector<16xi32>
      %and3A_97 = arith.constant 255 : i32
      %and3A_98 = vector.broadcast %and3A_97 : i32 to vector<16xi32>
      %and3A_99 = arith.andi %and3A_94, %and3A_98 : vector<16xi32>
      %gather3A = tpu.vector_load_idx %arg5[%shift_right_logical3A_96, %and3A_99] : memref<128x256xf32, #tpu.memory_space<vmem>>[vector<16xi32>, vector<16xi32>], vector<16xf32>,
      %add3A_100 = arith.addf %scan3A_82, %gather3A : vector<16xf32>
      %shift_right_logical3A_101 = arith.constant 16 : i32
      %shift_right_logical3A_102 = vector.broadcast %shift_right_logical3A_101 : i32 to vector<16xi32>
      %shift_right_logical3A_103 = arith.shrui %get3A_88, %shift_right_logical3A_102 : vector<16xi32>
      %shift_right_logical3A_104 = arith.constant 8 : i32
      %shift_right_logical3A_105 = vector.broadcast %shift_right_logical3A_104 : i32 to vector<16xi32>
      %shift_right_logical3A_106 = arith.shrui %shift_right_logical3A_103, %shift_right_logical3A_105 : vector<16xi32>
      %and3A_107 = arith.constant 255 : i32
      %and3A_108 = vector.broadcast %and3A_107 : i32 to vector<16xi32>
      %and3A_109 = arith.andi %shift_right_logical3A_103, %and3A_108 : vector<16xi32>
      %gather3A_110 = tpu.vector_load_idx %arg5[%shift_right_logical3A_106, %and3A_109] : memref<128x256xf32, #tpu.memory_space<vmem>>[vector<16xi32>, vector<16xi32>], vector<16xf32>,
      %add3A_111 = arith.addf %scan3A_83, %gather3A_110 : vector<16xf32>
      %and3A_112 = arith.constant 65535 : i32
      %and3A_113 = vector.broadcast %and3A_112 : i32 to vector<16xi32>
      %and3A_114 = arith.andi %get3A_92, %and3A_113 : vector<16xi32>
      %shift_right_logical3A_115 = arith.constant 8 : i32
      %shift_right_logical3A_116 = vector.broadcast %shift_right_logical3A_115 : i32 to vector<16xi32>
      %shift_right_logical3A_117 = arith.shrui %and3A_114, %shift_right_logical3A_116 : vector<16xi32>
      %and3A_118 = arith.constant 255 : i32
      %and3A_119 = vector.broadcast %and3A_118 : i32 to vector<16xi32>
      %and3A_120 = arith.andi %and3A_114, %and3A_119 : vector<16xi32>
      %gather3A_121 = tpu.vector_load_idx %arg5[%shift_right_logical3A_117, %and3A_120] : memref<128x256xf32, #tpu.memory_space<vmem>>[vector<16xi32>, vector<16xi32>], vector<16xf32>,
      %add3A_122 = arith.addf %scan3A_84, %gather3A_121 : vector<16xf32>
      %shift_right_logical3A_123 = arith.constant 16 : i32
      %shift_right_logical3A_124 = vector.broadcast %shift_right_logical3A_123 : i32 to vector<16xi32>
      %shift_right_logical3A_125 = arith.shrui %get3A_92, %shift_right_logical3A_124 : vector<16xi32>
      %shift_right_logical3A_126 = arith.constant 8 : i32
      %shift_right_logical3A_127 = vector.broadcast %shift_right_logical3A_126 : i32 to vector<16xi32>
      %shift_right_logical3A_128 = arith.shrui %shift_right_logical3A_125, %shift_right_logical3A_127 : vector<16xi32>
      %and3A_129 = arith.constant 255 : i32
      %and3A_130 = vector.broadcast %and3A_129 : i32 to vector<16xi32>
      %and3A_131 = arith.andi %shift_right_logical3A_125, %and3A_130 : vector<16xi32>
      %gather3A_132 = tpu.vector_load_idx %arg5[%shift_right_logical3A_128, %and3A_131] : memref<128x256xf32, #tpu.memory_space<vmem>>[vector<16xi32>, vector<16xi32>], vector<16xf32>,
      %add3A_133 = arith.addf %scan3A_85, %gather3A_132 : vector<16xf32>
      scf.yield %add3A_100, %add3A_111, %add3A_122, %add3A_133 : vector<16xf32>, vector<16xf32>, vector<16xf32>, vector<16xf32>
    }
    %scan3A_75 = arith.constant 86 : i32
    %add3A_76 = arith.addf %scan3A_74#0, %scan3A_74#1 : vector<16xf32>
    %add3A_77 = arith.addf %scan3A_74#2, %scan3A_74#3 : vector<16xf32>
    %add3A_78 = arith.addf %add3A_76, %add3A_77 : vector<16xf32>
    %swap3A_79 = arith.constant 0 : index
    %swap3A_80 = tpu.vector_load %arg7[%swap3A_79] {strides = array<i32>} : memref<16xf32, #tpu.memory_space<vmem>>, vector<16xf32>,
    tpu.vector_store %arg7[%swap3A_79], %add3A_78 {strides = array<i32>} : memref<16xf32, #tpu.memory_space<vmem>>, vector<16xf32>,
    "tpu.region"() ({
      %run_scoped3A = tpu.sem_alloc : memref<!tpu.dma_semaphore, #tpu.memory_space<semaphore_mem>>
      %dma_start3A_81 = arith.constant 0 : i32
      %dma_start3A_82 = tpu.memref_slice %arg4[%add3A, %dma_start3A_81] : memref<32x16xf32, #tpu.memory_space<hbm>> -> memref<1x16xf32, #tpu.memory_space<hbm>>
      %dma_start3A_83 = tpu.memref_squeeze %dma_start3A_82 : memref<1x16xf32, #tpu.memory_space<hbm>> -> memref<16xf32, #tpu.memory_space<hbm>>
      %dma_start3A_84 = arith.constant 0 : i32
      %dma_start3A_85 = tpu.memref_slice %arg4[%add3A, %dma_start3A_84] : memref<32x16xf32, #tpu.memory_space<hbm>> -> memref<1x16xf32, #tpu.memory_space<hbm>>
      %dma_start3A_86 = tpu.memref_squeeze %dma_start3A_85 : memref<1x16xf32, #tpu.memory_space<hbm>> -> memref<16xf32, #tpu.memory_space<hbm>>
      tpu.enqueue_dma source(%arg7 : memref<16xf32, #tpu.memory_space<vmem>>) target(%dma_start3A_86 : memref<16xf32, #tpu.memory_space<hbm>>) target_semaphore(%run_scoped3A : memref<!tpu.dma_semaphore, #tpu.memory_space<semaphore_mem>>)
      %dma_wait3A_87 = arith.constant 0 : i32
      %dma_wait3A_88 = tpu.memref_slice %arg4[%add3A, %dma_wait3A_87] : memref<32x16xf32, #tpu.memory_space<hbm>> -> memref<1x16xf32, #tpu.memory_space<hbm>>
      %dma_wait3A_89 = tpu.memref_squeeze %dma_wait3A_88 : memref<1x16xf32, #tpu.memory_space<hbm>> -> memref<16xf32, #tpu.memory_space<hbm>>
      %dma_wait3A_90 = arith.constant 0 : i32
      %dma_wait3A_91 = tpu.memref_slice %arg4[%add3A, %dma_wait3A_90] : memref<32x16xf32, #tpu.memory_space<hbm>> -> memref<1x16xf32, #tpu.memory_space<hbm>>
      %dma_wait3A_92 = tpu.memref_squeeze %dma_wait3A_91 : memref<1x16xf32, #tpu.memory_space<hbm>> -> memref<16xf32, #tpu.memory_space<hbm>>
      tpu.wait_dma2 semaphore(%run_scoped3A : memref<!tpu.dma_semaphore, #tpu.memory_space<semaphore_mem>>) src(%arg7 : memref<16xf32, #tpu.memory_space<vmem>>) dst(%dma_wait3A_92 : memref<16xf32, #tpu.memory_space<hbm>>)
      tpu.yield
    }) : () -> ()
    return
  }
}

module attributes {stable_mosaic.version = 14 : i64} {
  func.func @body(%arg0: memref<32x16xf32, #tpu.memory_space<vmem>>, %arg1: memref<1x1xf32, #tpu.memory_space<vmem>>) attributes {dimension_semantics = [], scalar_prefetch = 0 : i64, scratch_operands = 0 : i64, tpu.core_type = #tpu.core_type<tc>} {
    %get3A = arith.constant 0 : index
    %get3A_0 = arith.constant 0 : index
    %get3A_1 = vector.load %arg0[%get3A, %get3A_0] : memref<32x16xf32, #tpu.memory_space<vmem>>, vector<32x16xf32>
    %reduce_sum3A = vector.shape_cast %get3A_1 : vector<32x16xf32> to vector<1x32x16xf32>
    %reduce_sum3A_2 = arith.constant dense<0.000000e+00> : vector<1xf32>
    %reduce_sum3A_3 = vector.multi_reduction <add>, %reduce_sum3A, %reduce_sum3A_2 [1, 2] : vector<1x32x16xf32> to vector<1xf32>
    %reduce_sum3A_4 = vector.shape_cast %reduce_sum3A_3 : vector<1xf32> to vector<1x1x1xf32>
    %reduce_sum3A_5 = vector.extract %reduce_sum3A_4[0, 0, 0] : f32 from vector<1x1x1xf32>
    %mul3A = arith.mulf %reduce_sum3A_5, %reduce_sum3A_5 : f32
    %reshape3A = vector.broadcast %mul3A : f32 to vector<1x1xf32>
    %swap3A = arith.constant 0 : index
    %swap3A_6 = arith.constant 0 : index
    %swap3A_7 = vector.load %arg1[%swap3A, %swap3A_6] : memref<1x1xf32, #tpu.memory_space<vmem>>, vector<1x1xf32>
    tpu.vector_store %arg1[%swap3A, %swap3A_6], %reshape3A {strides = array<i32>} : memref<1x1xf32, #tpu.memory_space<vmem>>, vector<1x1xf32>,
    return
  }
}

</mosaic_0001>

<sc_bundles>
// kernel: kernel.4.cloned.1.call-start
scs
__scs_entry_jumppad:
0x0: {  	(pc) =	sbr.rel $0x88, $3  }
0x1: {  	(tag) =	ssettag $0x0;
	lr =	simm.s32 $0x1  }
0x2: {  	[smem:$0x3F9E] =	sst lr;
	_ =	strace $0xD0000000  }
0x3: {  	_ = 	snop  }
0x4: {  	_ = 	snop  }
0x5: {  	_ = 	snop  }
0x6: {  	_ = 	snop  }
0x7: {  	_ = 	snop  }
__scs_overlays_trampoline_lowered:
0x8: {  	[smem:$0x3FAD] =	sst s0  }
0x9: {  	[smem:$0x3FAE] =	sst s1  }
0xa: {  	[smem:$0x3FAF] =	sst s2  }
0xb: {  	[smem:$0x3FB0] =	sst s3  }
0xc: {  	[smem:$0x3FB1] =	sst s4  }
0xd: {  	[smem:$0x3FB2] =	sst s5  }
0xe: {  	[smem:$0x3FB3] =	sst s6  }
0xf: {  	[smem:$0x3FB4] =	sst s7  }
0x10: {  	[smem:$0x3FB5] =	sst s8  }
0x11: {  	[smem:$0x3FB6] =	sst s9;
	s0 =	simm.s32 @!p0 $0x0  }
0x12: {  	s1 =	sld [smem:$0x3F9C];
	s0 =	simm.s32 @p0 $0x1  }
0x13: {  	[smem:$0x3FB7] =	sst s0;
	s0 =	simm.s32 @!p1 $0x0  }
0x14: {  	s2 =	sld [smem:$0x3F9B];
	s0 =	simm.s32 @p1 $0x1  }
0x15: {  	[smem:$0x3FB8] =	sst s0;
	s0 =	simm.s32 @!p2 $0x0  }
0x16: {  	s3 =	sld [smem:$0x3FDB];
	s0 =	simm.s32 @p2 $0x1  }
0x17: {  	s4 =	simm.s32 $0x1BF5;
	[smem:$0x3FBA] =	sst s0  }
0x18: {  	s0 =	sld [smem:$0x3F9D];
	_ =	swait.ge [sflag:s4], $0x0  }
0x19: {  	s7 =	sld [smem:$0x3F9E]  }
0x1a: {  	s8 =	sadd.s32 $0xFFFFE003, lr  }
0x1b: {  	s9 =	sadd.s32 $0xFFFFFEF7, lr;
	s5 =	simm.s32 $0xFFFFFFFF;
	p2 =	slt.u32 s8, $0xFFFFF086  }
0x1c: {  	p1 =	slt.u32 s9, $0xF7A;
	s5 =	simm.s32 @!p2 $0x0  }
0x1d: {  	s5 =	simm.s32 @p1 $0x1;
	p0 =	seq.s32 s7, s2  }
0x1e: {  	s7 =	smul.u32 @!p0 $0xF7A, s2;
	p2 =	seq.s32 @!p0 s5, $0x0  }
0x1f: {  	s9 =	smul.u32 $0xF7A, s1;
	s8 =	simm.s32 @!p0 $0x1BF5;
	p2 =	por !p2, p0  }
0x20: {  	[sflag:s8] =	ssyncset.s32 @!p0 $0xFFFFF086;
	s6 =	sadd.s32 @!p0 s3, s7;
	s7 =	simm.s32 @!p0 $0x108  }
0x21: {  	s3 =	sadd.s32 s3, s9;
	s6 =	sadd.s32 @!p0 $0x88, s6;
	s7 =	simm.s32 @p2 $0x1082  }
0x22: {  	[simem:s7], [sflag:s8] =	dma.local @!p0 [hbm:s6], $0xF7A  }
0x23: {  	s9 =	sor.u32 $0xD0000000, s2;
	s6 =	simm.s32 $0x108;
	_ =	swait.ge @!p0 [sflag:s8], $0x0  }
0x24: {  	s3 =	sadd.s32 $0x88, s3;
	s6 =	simm.s32 @!p1 $0x1082;
	[sflag:s4] =	ssyncset.s32 $0xFFFFF086  }
0x25: {  	[simem:s6], [sflag:s4] =	dma.local [hbm:s3], $0xF7A  }
0x26: {  	[smem:$0x3F9E] =	sst s1;
	(tag) =	ssettag s2;
	_ =	strace s9  }
0x27: {  	s1 =	sld [smem:$0x3FAE]  }
0x28: {  	s2 =	sld [smem:$0x3FAF]  }
0x29: {  	s4 =	sld [smem:$0x3FB1]  }
0x2a: {  	p0 =	seq.s32 s5, $0x0;
	s5 =	sld [smem:$0x3FB2]  }
0x2b: {  	s6 =	sld [smem:$0x3FB3]  }
0x2c: {  	s7 =	sld [smem:$0x3FB4]  }
0x2d: {  	s3 =	simm.s32 $0x108;
	s8 =	sld [smem:$0x3FB5]  }
0x2e: {  	s3 =	simm.s32 @!p0 $0x1082;
	s9 =	sld [smem:$0x3FB6]  }
0x2f: {  	lr =	sadd.s32 s0, s3;
	s0 =	sld [smem:$0x3FAD]  }
0x30: {  	s3 =	sld [smem:$0x3FB0]  }
0x31: {  	[smem:$0x3FB9] =	sst s10  }
0x32: {  	s10 =	sld [smem:$0x3FB7];
	_ =	sdelay $0x3  }
0x33: {  	p0 =	seq.s32 s10, $0x1;
	s10 =	sld [smem:$0x3FB9];
	_ =	sdelay $0x3  }
0x34: {  	[smem:$0x3FB9] =	sst s10  }
0x35: {  	s10 =	sld [smem:$0x3FB8];
	_ =	sdelay $0x3  }
0x36: {  	p1 =	seq.s32 s10, $0x1;
	s10 =	sld [smem:$0x3FB9];
	_ =	sdelay $0x3  }
0x37: {  	[smem:$0x3FB9] =	sst s10  }
0x38: {  	s10 =	sld [smem:$0x3FBA]  }
0x39: {  	_ = 	snop;
	(pc) =	sbr.ind lr, $3  }
0x3a: {  	_ = 	snop  }
0x3b: {  	_ = 	snop  }
0x3c: {  	p2 =	seq.s32 s10, $0x1;
	s10 =	sld [smem:$0x3FB9]  }
0x3d: {  	_ =	shalt  }
0x3e: {  	_ =	shalt  }
0x3f: {  	_ =	shalt  }
0x40: {  	_ =	shalt  }
0x41: {  	_ =	shalt  }
0x42: {  	_ =	shalt  }
0x43: {  	_ =	shalt  }
0x44: {  	_ =	shalt  }
0x45: {  	_ =	shalt  }
0x46: {  	_ =	shalt  }
0x47: {  	_ =	shalt  }
0x48: {  	_ =	shalt  }
0x49: {  	_ =	shalt  }
0x4a: {  	_ =	shalt  }
0x4b: {  	_ =	shalt  }
0x4c: {  	_ =	shalt  }
0x4d: {  	_ =	shalt  }
0x4e: {  	_ =	shalt  }
0x4f: {  	_ =	shalt  }
0x50: {  	_ =	shalt  }
0x51: {  	_ =	shalt  }
0x52: {  	_ =	shalt  }
0x53: {  	_ =	shalt  }
0x54: {  	_ =	shalt  }
0x55: {  	_ =	shalt  }
0x56: {  	_ =	shalt  }
0x57: {  	_ =	shalt  }
0x58: {  	_ =	shalt  }
0x59: {  	_ =	shalt  }
0x5a: {  	_ =	shalt  }
0x5b: {  	_ =	shalt  }
0x5c: {  	_ =	shalt  }
0x5d: {  	_ =	shalt  }
0x5e: {  	_ =	shalt  }
0x5f: {  	_ =	shalt  }
0x60: {  	_ =	shalt  }
0x61: {  	_ =	shalt  }
0x62: {  	_ =	shalt  }
0x63: {  	_ =	shalt  }
0x64: {  	_ =	shalt  }
0x65: {  	_ =	shalt  }
0x66: {  	_ =	shalt  }
0x67: {  	_ =	shalt  }
0x68: {  	_ =	shalt  }
0x69: {  	_ =	shalt  }
0x6a: {  	_ =	shalt  }
0x6b: {  	_ =	shalt  }
0x6c: {  	_ =	shalt  }
0x6d: {  	_ =	shalt  }
0x6e: {  	_ =	shalt  }
0x6f: {  	_ =	shalt  }
0x70: {  	_ =	shalt  }
0x71: {  	_ =	shalt  }
0x72: {  	_ =	shalt  }
0x73: {  	_ =	shalt  }
0x74: {  	_ =	shalt  }
0x75: {  	_ =	shalt  }
0x76: {  	_ =	shalt  }
0x77: {  	_ =	shalt  }
0x78: {  	_ =	shalt  }
0x79: {  	_ =	shalt  }
0x7a: {  	_ =	shalt  }
0x7b: {  	_ =	shalt  }
0x7c: {  	_ =	shalt  }
0x7d: {  	_ =	shalt  }
0x7e: {  	_ =	shalt  }
0x7f: {  	_ =	shalt  }
0x80: {  	_ =	shalt  }
0x81: {  	_ =	shalt  }
0x82: {  	_ =	shalt  }
0x83: {  	_ =	shalt  }
0x84: {  	_ =	shalt  }
0x85: {  	_ =	shalt  }
0x86: {  	_ =	shalt  }
0x87: {  	_ =	shalt  }
.Lfunc_end0:
.L_simem_size_0:
called_computation_lowered:
.L_overlay_start_0:
0x88: {  	s2 =	sld [smem:$0x3FD9]  }
0x89: {  	s3 =	sld [smem:$0x3FFE];
	_ =	sdelay $0x1  }
0x8a: {  	s1 =	srdreg.scid  }
0x8b: {  	s0 =	sand.u32 $0x1, s1  }
0x8c: {  	s17 =	sshll.u32 s0, $0xA;
	s2 =	sadd.s32 s3, s2  }
0x8d: {  	s2 =	sadd.s32 s2, s17  }
0x8e: {  	[smem:$0x3FC5] =	sst s2  }
0x8f: {  	_ = 	snop  }
0x90: {  	s2 =	sld [smem:$0x3FC9];
	(tm) =	ssettm $0x1  }
0x91: {  	s18 =	sld [smem:$0x3FFB];
	_ =	sdelay $0x3  }
0x92: {  	_ =	strace s18  }
0x93: {  	s3 =	sld [smem:$0x3FFC];
	_ =	sdelay $0x3  }
0x94: {  	_ =	strace s3  }
0x95: {  	s3 =	sld [smem:$0x3FFD];
	_ =	sdelay $0x3  }
0x96: {  	_ =	strace s3  }
0x97: {  	_ =	strace $0x8FFFFFFF  }
0x98: {  	s19 =	sld [smem:$0x3FDB];
	_ =	sdelay $0x1  }
0x99: {  	s4 =	simm.s32 $_scs_section_size  }
0x9a: {  	s5 =	simm.s32 $_size__tile_overlayer_lowered;
	s6 =	simm.s32 $_tile_overlayer_lowered  }
0x9b: {  	s22 =	simm.s32 $0x1BFF;
	s21 =	sshll.u32 s6, $0x1;
	s3 =	sadd.s32 s4, s19  }
0x9c: {  	s7 =	simm.s32 $0x0;
	s20 =	sshll.u32 s5, $0x1;
	s5 =	sadd.s32 s21, s3  }
0x9d: {  	[timem:s7], [sflag:s22] =	dma.local [hbm:s5], s20  }
0x9e: {  	_ =	swait.ge [sflag:s22], s20  }
0x9f: {  	s4 =	ssub.s32 $0x0, s20;
	[sflag:s22] =	ssyncset.done $0x0  }
0xa0: {  	[sflag:s22] =	ssyncadd.s32 s4;
	_ =	sdelay $0x1  }
0xa1: {  	s23 =	simm.s32 $0x1B8B  }
0xa2: {  	_ =	swait.ge [sflag:s23], $0x1  }
0xa3: {  	[sflag:s23] =	ssyncset.done $0x0  }
0xa4: {  	s25 =	simm.s32 $0x1B8E;
	s24 =	sld [smem:$0x3FFE];
	[sflag:s23] =	ssyncadd.s32 $0xFFFFFFFF  }
0xa5: {  	s26 =	simm.s32 $execute0_lowered;
	[smem:$0x3FD2] =	sst s25  }
0xa6: {  	s5 =	sshll.u32 s26, $0x1;
	_ =	strace $0x80000046;
	[dreg:$0x1] =	wrdreg $0xFFFFFFFF  }
0xa7: {  	s28 =	simm.s32 $_size_execute0_lowered;
	s3 =	sadd.s32 s3, s5;
	[dreg:$0x0] =	wrdreg $0x0  }
0xa8: {  	s5 =	sshll.u32 s28, $0x1;
	[dreg:$0x2] =	wrdreg s3  }
0xa9: {  	[dreg:$0x3] =	wrdreg s5  }
0xaa: {  	[dreg:$0x4] =	wrdreg $0xC0  }
0xab: {  	_ =	task [dreg:s7], $0x5FFFF  }
0xac: {  	[dreg:$0x1] =	wrdreg $0xFFFFFFFF  }
0xad: {  	[dreg:$0x0] =	wrdreg $0x60  }
0xae: {  	[dreg:$0x2] =	wrdreg s2  }
0xaf: {  	[dreg:$0x3] =	wrdreg s24  }
0xb0: {  	[dreg:$0x4] =	wrdreg $0x9  }
0xb1: {  	_ =	task.clear_ibuf [dreg:s7], $0x5FFFF;
	_ =	strace $0x90000046  }
0xb2: {  	s29 =	simm.s32 $0x9;
	_ =	strace $0x80000048  }
0xb3: {  	_ =	swait.ge [sflag:s29], $0x1  }
0xb4: {  	[sflag:s29] =	ssyncadd.s32 $0xFFFFFFFF  }
0xb5: {  	_ =	strace $0x90000048  }
0xb6: {  	_ =	sfence  }
0xb7: {  	s30 =	sld [smem:$0x0];
	_ =	sdelay $0x2  }
0xb8: {  	s31 =	sshll.u32 s1, $0xD;
	s1 =	sshrl.u32 s1, $0x2  }
0xb9: {  	s3 =	sand.u32 $0x4000, s31;
	s1 =	sadd.s32 s1, s30  }
0xba: {  	s0 =	sor.u32 s3, s0;
	s1 =	sshll.u32 s1, $0x11  }
0xbb: {  	s0 =	sor.u32 s1, s0  }
0xbc: {  	s0 =	sadd.s32 $0x8F2B, s0  }
0xbd: {  	[sflag:s0] =	ssyncadd.remote.s32 $0x1  }
0xbe: {  	_ =	sfence.sel $0xFFFF  }
0xbf: {  	[dreg:$0x0] =	wrdreg $0xFFFFFFFF;
	(pc) =	sbr.abs _section_cstart, $3  }
0xc0: {  	[dreg:$0x1] =	wrdreg $0xFFFFFFFF  }
0xc1: {  	_ =	task.clear_ibuf [dreg:s7], $0x2FFFF;
	_ =	strace $0x9FFFFFFF  }
0xc2: {  	(tm) =	ssettm $0x7FFFFFFF  }
0xc3: {  	_ =	shalt  }
tec
execute0_lowered:
.L_overlay_start_1:
0x0: {  	(tag) =	ssettag $0x1  }
0x1: {  	s4 =	rddreg [dreg:$0x0]  }
0x2: {  	s5 =	rddreg [dreg:$0x1]  }
0x3: {  	s0 =	rddreg [dreg:$0x2]  }
0x4: {  	s2 =	simm.s32 $0x0;
	s3 =	srdreg.scid;
	s1 =	stileid.u32  }
0x5: {  	s10 =	simm.s32 $0x1000;
	s11 =	simm.s32 $0x4800;
	s12 =	simm.s32 $0x1  }
0x6: {  	s13 =	simm.s32 $0x2;
	s14 =	simm.s32 $0x3;
	s15 =	simm.s32 $0x9980  }
0x7: {  	s16 =	simm.s32 $0x4;
	s17 =	simm.s32 $0x0;
	[smem:$0x7FF] =	sst s2  }
0x8: {  	s6 =	sand.u32 $0x1, s3;
	s7 =	sshll.u32 s1, $0x1;
	s3 =	sadd.s32 $0x600, s5  }
0x9: {  	_ =	strace $0x80000047;
	s7 =	sor.u32 s6, s7;
	s6 =	ssub.s32 $0x2, s6  }
0xa: {  	s8 =	sshll.u32 s7, $0x4;
	s7 =	sshll.u32 s7, $0xF;
	s31 =	sshrl.u32 s6, $0x1  }
0xb: {  	s8 =	sadd.s32 s8, s5;
	s7 =	sadd.s32 s7, s4;
	s9 =	ssub.s32 s6, s31  }
0xc: {  	s4 =	sadd.s32 $0x3080, s7;
	s5 =	sadd.s32 $0x4280, s7;
	s6 =	sadd.s32 $0xA00, s8  }
0xd: {  	s7 =	smax.u32 s9, $0x1;
	s8 =	simm.s32 $0x8000;
	s9 =	simm.s32 $0x800  }
.LBB2_1:
0xe: {  	[tilespmem:s8], [sflag:$0x1] =	stream.linear.gather [hbm4b:s3+s2], $0x1980, $0x38;
	[tilespmem:$0x9A00] =	vst v63  }
0xf: {  	_ = 	snop  }
0x10: {  	[tilespmem:s2], [sflag:$0x2] =	stream.strided.gather [hbm4b:s4+s9], $0x4800, s10, s9, $0x38;
	[tilespmem:$0x9A00] =	vst v63  }
0x11: {  	_ = 	snop  }
0x12: {  	[tilespmem:s11], [sflag:$0x3] =	stream.strided.gather [hbm4b:s5+s9], $0x3800, s10, s9, $0x38;
	[tilespmem:$0x9A00] =	vst v63  }
0x13: {  	_ =	swait.ge [sflag:s12], $0x1980  }
0x14: {  	[sflag:s12] =	ssyncset.done $0x0  }
0x15: {  	[sflag:s12] =	ssyncadd.s32 $0xFFFFE680  }
0x16: {  	_ =	swait.ge [sflag:s13], $0x4800  }
0x17: {  	[sflag:s13] =	ssyncset.done $0x0  }
0x18: {  	v0 =	vimm.f32 $0.0e+00;
	[sflag:s13] =	ssyncadd.s32 $0xFFFFB800  }
0x19: {  	s18 =	simm.s32 $0x0;
	[tilespmem:$0x0] =	vst v0  }
0x1a: {  	v1 =	vld [tilespmem:s18+$0x8010]  }
0x1b: {  	v2 =	vld [tilespmem:s18+$0x8000];
	_ =	sdelay $0x3  }
0x1c: {  	v3 =	vshrl.u32 v1, $0x10;
	v4 =	vshrl.u32 v1, $0xD;
	v6 =	vshrl.u32 v1, $0x11  }
0x1d: {  	v7 =	vshrl.u32 v2, $0x10;
	v8 =	vshll.u32 v2, $0x3;
	v9 =	vshrl.u32 v2, $0x11  }
0x1e: {  	v10 =	vshrl.u32 v2, $0x1;
	v5 =	vand.u32 $0xF800, v3;
	v4 =	vand.u32 $0x400, v4  }
0x1f: {  	v3 =	vand.u32 $0x7F, v3;
	v4 =	vor.u32 v4, v5;
	v5 =	vand.u32 $0x380, v6  }
0x20: {  	v8 =	vand.u32 $0x400, v8;
	v4 =	vor.u32 v5, v4;
	v5 =	vshrl.u32 v2, $0xD  }
0x21: {  	s31 =	simm.s32 $0x20;
	v3 =	vor.u32 v3, v4;
	v4 =	vand.u32 $0xF800, v7;
	v5 =	vand.u32 $0x400, v5  }
0x22: {  	v9 =	vand.u32 $0x380, v9;
	v6 =	vshll.u32 v1, $0x3;
	v4 =	vor.u32 v5, v4;
	v5 =	vld [tilespmem:s31+$0x8010]  }
0x23: {  	v10 =	vand.u32 $0x380, v10;
	v2 =	vand.u32 $0xF87F, v2;
	v6 =	vand.u32 $0x400, v6  }
0x24: {  	v13 =	vld [tilespmem:s31+$0x8000];
	v4 =	vor.u32 v9, v4;
	v9 =	vshrl.u32 v1, $0x1;
	v1 =	vand.u32 $0xF87F, v1  }
0x25: {  	v2 =	vor.u32 v8, v2;
	v1 =	vor.u32 v6, v1;
	v6 =	vand.u32 $0x7F, v7  }
0x26: {  	v2 =	vor.u32 v10, v2;
	v7 =	vand.u32 $0x380, v9;
	v6 =	vor.u32 v6, v4;
	v3 =	vld.idx.msk [tilespmem:v3+s2+$0x0], $0xffff  }
0x27: {  	v7 =	vor.u32 v7, v1;
	v4 =	vshrl.u32 v5, $0x10;
	v1 =	vshrl.u32 v5, $0xD  }
0x28: {  	v9 =	vshrl.u32 v5, $0x11;
	v14 =	vshll.u32 v5, $0x3;
	v8 =	vand.u32 $0xF800, v4  }
0x29: {  	v1 =	vand.u32 $0x400, v1;
	v10 =	vand.u32 $0x380, v9;
	v9 =	vshrl.u32 v13, $0x10  }
0x2a: {  	v14 =	vand.u32 $0x400, v14;
	v8 =	vor.u32 v1, v8;
	v11 =	vand.u32 $0xF800, v9  }
0x2b: {  	v1 =	vadd.f32 v3, v0;
	v3 =	vand.u32 $0x7F, v4;
	v4 =	vor.u32 v10, v8  }
0x2c: {  	v10 =	vshrl.u32 v13, $0xD;
	v8 =	vor.u32 v3, v4;
	v3 =	vshll.u32 v13, $0x3  }
0x2d: {  	v12 =	vand.u32 $0x400, v10;
	v4 =	vld.idx.msk [tilespmem:v2+s2+$0x0], $0xffff;
	v2 =	vshrl.u32 v13, $0x11;
	v10 =	vand.u32 $0x400, v3  }
0x2e: {  	v6 =	vld.idx.msk [tilespmem:v6+s2+$0x0], $0xffff;
	v11 =	vor.u32 v12, v11;
	v15 =	vand.u32 $0x380, v2;
	v12 =	vshrl.u32 v13, $0x1  }
0x2f: {  	s19 =	simm.s32 $0x40;
	s18 =	simm.s32 $0x180;
	v7 =	vld.idx.msk [tilespmem:v7+s2+$0x0], $0xffff;
	v13 =	vand.u32 $0xF87F, v13;
	v2 =	vimm.f32 $0.0e+00;
	v3 =	vimm.f32 $0.0e+00  }
.LBB2_2:
0x30: {  	p0 =	sne.s32 s18, $0x3900;
	v11 =	vor.u32 v15, v11;
	v15 =	vshrl.u32 v5, $0x1;
	v16 =	vand.u32 $0xF87F, v5;
	v5 =	vld [tilespmem:s19+$0x8010]  }
0x31: {  	v12 =	vand.u32 $0x380, v12;
	v10 =	vor.u32 v10, v13;
	v13 =	vor.u32 v14, v16;
	v8 =	vld.idx.msk [tilespmem:v8+s2+$0x0], $0xffff  }
0x32: {  	v9 =	vand.u32 $0x7F, v9;
	v10 =	vor.u32 v12, v10;
	v12 =	vand.u32 $0x380, v15;
	v14 =	vld [tilespmem:s19+$0x8000]  }
0x33: {  	v0 =	vadd.f32 v6, v0;
	v11 =	vor.u32 v9, v11;
	v12 =	vor.u32 v12, v13  }
0x34: {  	v2 =	vadd.f32 v4, v2;
	v3 =	vadd.f32 v7, v3  }
0x35: {  	v16 =	vshll.u32 v5, $0x3;
	v6 =	vshrl.u32 v5, $0x10;
	v4 =	vshrl.u32 v5, $0xD  }
0x36: {  	v9 =	vshrl.u32 v5, $0x11;
	v7 =	vand.u32 $0xF800, v6;
	v4 =	vand.u32 $0x400, v4  }
0x37: {  	v13 =	vand.u32 $0x380, v9;
	v1 =	vadd.f32 v8, v1;
	v7 =	vor.u32 v4, v7;
	v4 =	vld.idx.msk [tilespmem:v10+s2+$0x0], $0xffff  }
.Ltmp0:
0x38: {  	v8 =	vand.u32 $0x7F, v6;
	v9 =	vshrl.u32 v14, $0x10;
	v7 =	vor.u32 v13, v7;
	v6 =	vld.idx.msk [tilespmem:v11+s2+$0x0], $0xffff;
	(pc) =	sbr.rel @p0 .LBB2_2-.Ltmp0, $4  }
0x39: {  	v10 =	vshrl.u32 v14, $0xD;
	v11 =	vand.u32 $0xF800, v9;
	v8 =	vor.u32 v8, v7;
	v7 =	vld.idx.msk [tilespmem:v12+s2+$0x0], $0xffff  }
0x3a: {  	v15 =	vshrl.u32 v14, $0x11;
	v13 =	vand.u32 $0x400, v10;
	v12 =	vshll.u32 v14, $0x3  }
0x3b: {  	v15 =	vand.u32 $0x380, v15;
	v11 =	vor.u32 v13, v11;
	v10 =	vand.u32 $0x400, v12  }
0x3c: {  	s19 =	sshra.s32 s18, $0x2;
	s18 =	sadd.s32 $0x80, s18;
	v13 =	vand.u32 $0xF87F, v14;
	v12 =	vshrl.u32 v14, $0x1;
	v14 =	vand.u32 $0x400, v16  }
0x3d: {  	v16 =	vld [tilespmem:s19+$0x8010]  }
0x3e: {  	v10 =	vor.u32 v10, v13;
	v13 =	vld [tilespmem:s19+$0x8000]  }
0x3f: {  	v11 =	vor.u32 v15, v11;
	v15 =	vshrl.u32 v5, $0x1  }
0x40: {  	v5 =	vand.u32 $0xF87F, v5;
	v12 =	vand.u32 $0x380, v12;
	v9 =	vand.u32 $0x7F, v9  }
0x41: {  	v5 =	vor.u32 v14, v5;
	v10 =	vor.u32 v12, v10;
	v12 =	vand.u32 $0x380, v15  }
0x42: {  	v9 =	vor.u32 v9, v11;
	v5 =	vor.u32 v12, v5;
	v14 =	vshrl.u32 v16, $0x10  }
0x43: {  	v15 =	vshrl.u32 v16, $0xD;
	v12 =	vshrl.u32 v16, $0x11;
	v17 =	vshrl.u32 v13, $0xD  }
0x44: {  	v18 =	vshrl.u32 v13, $0x11;
	v11 =	vand.u32 $0xF800, v14;
	v15 =	vand.u32 $0x400, v15  }
0x45: {  	v12 =	vand.u32 $0x380, v12;
	v14 =	vand.u32 $0x7F, v14;
	v17 =	vand.u32 $0x400, v17  }
0x46: {  	v18 =	vand.u32 $0x380, v18;
	v11 =	vor.u32 v15, v11;
	v15 =	vshrl.u32 v13, $0x10  }
0x47: {  	v11 =	vor.u32 v12, v11;
	v12 =	vand.u32 $0xF800, v15;
	v15 =	vand.u32 $0x7F, v15  }
0x48: {  	v11 =	vor.u32 v14, v11;
	v14 =	vshll.u32 v13, $0x3;
	v12 =	vor.u32 v17, v12  }
0x49: {  	v17 =	vand.u32 $0xF87F, v13;
	v13 =	vshrl.u32 v13, $0x1;
	v14 =	vand.u32 $0x400, v14  }
0x4a: {  	v12 =	vor.u32 v18, v12;
	v14 =	vor.u32 v14, v17;
	v17 =	vshll.u32 v16, $0x3  }
0x4b: {  	v13 =	vand.u32 $0x380, v13;
	v12 =	vor.u32 v15, v12;
	v17 =	vand.u32 $0x400, v17  }
0x4c: {  	v8 =	vld.idx.msk [tilespmem:v8+s2+$0x0], $0xffff;
	v13 =	vor.u32 v13, v14;
	v14 =	vshrl.u32 v16, $0x1;
	v16 =	vand.u32 $0xF87F, v16  }
0x4d: {  	v10 =	vld.idx.msk [tilespmem:v10+s2+$0x0], $0xffff;
	v16 =	vor.u32 v17, v16;
	v14 =	vand.u32 $0x380, v14  }
0x4e: {  	v9 =	vld.idx.msk [tilespmem:v9+s2+$0x0], $0xffff;
	v14 =	vor.u32 v14, v16  }
0x4f: {  	v5 =	vld.idx.msk [tilespmem:v5+s2+$0x0], $0xffff  }
0x50: {  	v11 =	vld.idx.msk [tilespmem:v11+s2+$0x0], $0xffff  }
0x51: {  	v12 =	vld.idx.msk [tilespmem:v12+s2+$0x0], $0xffff  }
0x52: {  	v13 =	vld.idx.msk [tilespmem:v13+s2+$0x0], $0xffff  }
0x53: {  	v14 =	vld.idx.msk [tilespmem:v14+s2+$0x0], $0xffff;
	_ =	swait.ge [sflag:s14], $0x3800  }
0x54: {  	[sflag:s14] =	ssyncset.done $0x0  }
0x55: {  	s18 =	simm.s32 $0x0;
	v3 =	vadd.f32 v7, v3;
	[sflag:s14] =	ssyncadd.s32 $0xFFFFC800  }
0x56: {  	v0 =	vadd.f32 v6, v0;
	v6 =	vld [tilespmem:s18+$0x8E70]  }
0x57: {  	v2 =	vadd.f32 v4, v2;
	v3 =	vadd.f32 v5, v3;
	v5 =	vld [tilespmem:s18+$0x8E60]  }
0x58: {  	v1 =	vadd.f32 v8, v1;
	v0 =	vadd.f32 v9, v0  }
0x59: {  	v2 =	vadd.f32 v10, v2  }
0x5a: {  	v4 =	vadd.f32 v11, v1;
	v0 =	vadd.f32 v12, v0  }
0x5b: {  	v1 =	vadd.f32 v13, v2;
	v7 =	vshrl.u32 v6, $0x10;
	v2 =	vshrl.u32 v6, $0xD  }
0x5c: {  	v10 =	vshrl.u32 v6, $0x11;
	v11 =	vshll.u32 v5, $0x3;
	v12 =	vshrl.u32 v5, $0x11  }
0x5d: {  	s31 =	simm.s32 $0x20;
	v13 =	vand.u32 $0xF87F, v5;
	v8 =	vand.u32 $0xF800, v7;
	v9 =	vand.u32 $0x400, v2  }
0x5e: {  	v15 =	vld [tilespmem:s31+$0x8E60];
	v2 =	vadd.f32 v14, v3;
	v3 =	vor.u32 v9, v8;
	v8 =	vand.u32 $0x380, v10  }
0x5f: {  	v7 =	vand.u32 $0x7F, v7;
	v11 =	vand.u32 $0x400, v11;
	v3 =	vor.u32 v8, v3  }
0x60: {  	v10 =	vshrl.u32 v5, $0xD;
	v8 =	vshrl.u32 v5, $0x10;
	v3 =	vor.u32 v7, v3  }
0x61: {  	v9 =	vshll.u32 v6, $0x3;
	v10 =	vand.u32 $0x400, v10;
	v7 =	vand.u32 $0xF800, v8  }
0x62: {  	v7 =	vor.u32 v10, v7;
	v10 =	vand.u32 $0x380, v12;
	v12 =	vshrl.u32 v5, $0x1;
	v5 =	vld [tilespmem:s31+$0x8E70]  }
0x63: {  	v14 =	vshrl.u32 v15, $0x11;
	v11 =	vor.u32 v11, v13;
	v9 =	vand.u32 $0x400, v9  }
0x64: {  	v7 =	vor.u32 v10, v7;
	v10 =	vshrl.u32 v6, $0x1;
	v6 =	vand.u32 $0xF87F, v6  }
0x65: {  	v8 =	vand.u32 $0x7F, v8;
	v12 =	vand.u32 $0x380, v12;
	v6 =	vor.u32 v9, v6;
	v3 =	vld.idx.msk [tilespmem:v3+s2+$0x0], $0xffff  }
0x66: {  	v9 =	vand.u32 $0x380, v10;
	v10 =	vor.u32 v12, v11;
	v7 =	vor.u32 v8, v7  }
0x67: {  	v12 =	vor.u32 v9, v6;
	v6 =	vshrl.u32 v5, $0x10;
	v8 =	vshrl.u32 v5, $0xD  }
0x68: {  	v11 =	vshrl.u32 v5, $0x11;
	v9 =	vand.u32 $0xF800, v6;
	v8 =	vand.u32 $0x400, v8  }
0x69: {  	v13 =	vshrl.u32 v15, $0xD;
	v11 =	vand.u32 $0x380, v11;
	v8 =	vor.u32 v8, v9  }
0x6a: {  	v3 =	vadd.f32 v3, v4;
	v4 =	vand.u32 $0x7F, v6;
	v6 =	vor.u32 v11, v8  }
0x6b: {  	v13 =	vand.u32 $0x400, v13;
	v9 =	vshrl.u32 v15, $0x10;
	v8 =	vor.u32 v4, v6  }
0x6c: {  	v16 =	vshll.u32 v5, $0x3;
	v11 =	vand.u32 $0xF800, v9;
	v4 =	vld.idx.msk [tilespmem:v10+s2+$0x0], $0xffff;
	v10 =	vshll.u32 v15, $0x3  }
0x6d: {  	v6 =	vld.idx.msk [tilespmem:v7+s2+$0x0], $0xffff;
	v11 =	vor.u32 v13, v11;
	v13 =	vand.u32 $0x380, v14;
	v14 =	vshrl.u32 v15, $0x1  }
0x6e: {  	s19 =	simm.s32 $0x40;
	s18 =	simm.s32 $0x180;
	v7 =	vld.idx.msk [tilespmem:v12+s2+$0x0], $0xffff;
	v15 =	vand.u32 $0xF87F, v15;
	v12 =	vand.u32 $0x400, v16;
	v10 =	vand.u32 $0x400, v10  }
.LBB2_4:
0x6f: {  	p0 =	sne.s32 s18, $0x2A80;
	v11 =	vor.u32 v13, v11;
	v13 =	vshrl.u32 v5, $0x1;
	v16 =	vand.u32 $0xF87F, v5;
	v5 =	vld [tilespmem:s19+$0x8E70]  }
0x70: {  	v14 =	vand.u32 $0x380, v14;
	v10 =	vor.u32 v10, v15;
	v12 =	vor.u32 v12, v16;
	v8 =	vld.idx.msk [tilespmem:v8+s2+$0x0], $0xffff  }
0x71: {  	v9 =	vand.u32 $0x7F, v9;
	v10 =	vor.u32 v14, v10;
	v13 =	vand.u32 $0x380, v13;
	v15 =	vld [tilespmem:s19+$0x8E60]  }
0x72: {  	v0 =	vadd.f32 v6, v0;
	v11 =	vor.u32 v9, v11;
	v12 =	vor.u32 v13, v12  }
0x73: {  	v1 =	vadd.f32 v4, v1;
	v2 =	vadd.f32 v7, v2  }
0x74: {  	v16 =	vshll.u32 v5, $0x3;
	v6 =	vshrl.u32 v5, $0x10;
	v4 =	vshrl.u32 v5, $0xD  }
0x75: {  	v9 =	vshrl.u32 v5, $0x11;
	v7 =	vand.u32 $0xF800, v6;
	v4 =	vand.u32 $0x400, v4  }
0x76: {  	v13 =	vand.u32 $0x380, v9;
	v3 =	vadd.f32 v8, v3;
	v7 =	vor.u32 v4, v7;
	v4 =	vld.idx.msk [tilespmem:v10+s2+$0x0], $0xffff  }
.Ltmp1:
0x77: {  	v8 =	vand.u32 $0x7F, v6;
	v9 =	vshrl.u32 v15, $0x10;
	v7 =	vor.u32 v13, v7;
	v6 =	vld.idx.msk [tilespmem:v11+s2+$0x0], $0xffff;
	(pc) =	sbr.rel @p0 .LBB2_4-.Ltmp1, $4  }
0x78: {  	v10 =	vshrl.u32 v15, $0xD;
	v11 =	vand.u32 $0xF800, v9;
	v8 =	vor.u32 v8, v7;
	v7 =	vld.idx.msk [tilespmem:v12+s2+$0x0], $0xffff  }
0x79: {  	v14 =	vshrl.u32 v15, $0x11;
	v13 =	vand.u32 $0x400, v10;
	v12 =	vshll.u32 v15, $0x3  }
0x7a: {  	v11 =	vor.u32 v13, v11;
	v13 =	vand.u32 $0x380, v14;
	v10 =	vand.u32 $0x400, v12  }
0x7b: {  	s19 =	sshra.s32 s18, $0x2;
	s18 =	sadd.s32 $0x80, s18;
	v14 =	vshrl.u32 v15, $0x1;
	v15 =	vand.u32 $0xF87F, v15;
	v12 =	vand.u32 $0x400, v16  }
0x7c: {  	v16 =	vld [tilespmem:s19+$0x8E70]  }
0x7d: {  	v11 =	vor.u32 v13, v11;
	v47 =	vshrl.u32 v5, $0x1;
	v49 =	vld [tilespmem:s19+$0x8E60]  }
0x7e: {  	v48 =	vand.u32 $0xF87F, v5;
	v14 =	vand.u32 $0x380, v14;
	v10 =	vor.u32 v10, v15  }
0x7f: {  	v9 =	vand.u32 $0x7F, v9;
	v5 =	vor.u32 v12, v48;
	v50 =	vand.u32 $0x380, v47  }
0x80: {  	v10 =	vor.u32 v14, v10;
	v9 =	vor.u32 v9, v11;
	v5 =	vor.u32 v50, v5  }
0x81: {  	v51 =	vshrl.u32 v16, $0x10;
	v52 =	vshrl.u32 v16, $0xD;
	v54 =	vshrl.u32 v16, $0x11  }
0x82: {  	v55 =	vshrl.u32 v49, $0x10;
	v17 =	vshrl.u32 v49, $0xD;
	v57 =	vshll.u32 v49, $0x3  }
0x83: {  	v58 =	vand.u32 $0xF87F, v49;
	v18 =	vshrl.u32 v49, $0x11;
	v15 =	vshrl.u32 v49, $0x1  }
0x84: {  	v59 =	vshll.u32 v16, $0x3;
	v60 =	vshrl.u32 v16, $0x1;
	v16 =	vand.u32 $0xF87F, v16  }
0x85: {  	v53 =	vand.u32 $0xF800, v51;
	v14 =	vand.u32 $0x400, v52;
	v12 =	vand.u32 $0x380, v54  }
0x86: {  	v13 =	vand.u32 $0x7F, v51;
	v56 =	vand.u32 $0xF800, v55;
	v17 =	vand.u32 $0x400, v17  }
0x87: {  	v18 =	vand.u32 $0x380, v18;
	v15 =	vand.u32 $0x380, v15;
	v11 =	vor.u32 v14, v53  }
0x88: {  	v14 =	vand.u32 $0x7F, v55;
	v11 =	vor.u32 v12, v11;
	v12 =	vor.u32 v17, v56  }
0x89: {  	v11 =	vor.u32 v13, v11;
	v13 =	vand.u32 $0x400, v57;
	v12 =	vor.u32 v18, v12  }
0x8a: {  	v8 =	vld.idx.msk [tilespmem:v8+s2+$0x0], $0xffff;
	v17 =	vand.u32 $0x400, v59;
	v13 =	vor.u32 v13, v58;
	v12 =	vor.u32 v14, v12  }
0x8b: {  	v10 =	vld.idx.msk [tilespmem:v10+s2+$0x0], $0xffff;
	v16 =	vor.u32 v17, v16;
	v13 =	vor.u32 v15, v13;
	v15 =	vand.u32 $0x380, v60  }
0x8c: {  	v9 =	vld.idx.msk [tilespmem:v9+s2+$0x0], $0xffff;
	v61 =	vor.u32 v15, v16  }
0x8d: {  	v5 =	vld.idx.msk [tilespmem:v5+s2+$0x0], $0xffff  }
0x8e: {  	v11 =	vld.idx.msk [tilespmem:v11+s2+$0x0], $0xffff  }
0x8f: {  	v12 =	vld.idx.msk [tilespmem:v12+s2+$0x0], $0xffff  }
0x90: {  	v13 =	vld.idx.msk [tilespmem:v13+s2+$0x0], $0xffff  }
0x91: {  	v0 =	vadd.f32 v6, v0;
	v62 =	vld.idx.msk [tilespmem:v61+s2+$0x0], $0xffff  }
0x92: {  	v1 =	vadd.f32 v4, v1;
	v2 =	vadd.f32 v7, v2  }
0x93: {  	v3 =	vadd.f32 v8, v3;
	v0 =	vadd.f32 v9, v0  }
0x94: {  	v1 =	vadd.f32 v10, v1;
	v2 =	vadd.f32 v5, v2  }
0x95: {  	v3 =	vadd.f32 v11, v3;
	v0 =	vadd.f32 v12, v0  }
0x96: {  	v1 =	vadd.f32 v13, v1;
	v2 =	vadd.f32 v62, v2;
	_ =	sdelay $0x1  }
0x97: {  	v0 =	vadd.f32 v0, v1;
	v63 =	vadd.f32 v3, v2;
	_ =	sdelay $0x1  }
0x98: {  	s17 =	sadd.s32 $0x1, s17;
	v0 =	vadd.f32 v63, v0  }
0x99: {  	p0 =	sne.s32 s17, s7  }
.Ltmp2:
0x9a: {  	[tilespmem:$0x9980] =	vst v0;
	(pc) =	sbr.rel @p0 .LBB2_1-.Ltmp2, $4  }
0x9b: {  	[hbm4b:s6+s2] =	stream.linear.scatter [tilespmem:s15], [sflag:$0x4], $0x80, $0x38;
	[tilespmem:$0x9A00] =	vst v63  }
0x9c: {  	_ =	swait.ge [sflag:s16], $0x80  }
0x9d: {  	[sflag:s16] =	ssyncset.done $0x0  }
0x9e: {  	[sflag:s16] =	ssyncadd.s32 $0xFFFFFF80  }
0x9f: {  	_ =	sfence.sel $0x180000  }
0xa0: {  	[bflag:$0x0] =	sbarrier.arrive $0xFFFF  }
0xa1: {  	p0 =	sne.s32 s1, $0x0;
	_ =	strace $0x90000047  }
0xa2: {  	s0 =	sadd.s32 @!p0 $0x100000, s0;
	[bflag:$0x2] =	sbarrier.arrive $0xFFFF  }
0xa3: {  	[sflag:s0] =	ssyncadd.tile.s32 @!p0 $0x1;
	_ =	shalt  }
.Lfunc_end2:
_tile_overlayer_lowered:
.L_overlay_start_2:
0xa4: {  	(tag) =	ssettag $0x2  }
0xa5: {  	s0 =	rddreg [dreg:$0x0];
	s2 =	stileid.u32  }
0xa6: {  	s1 =	rddreg [dreg:$0x1];
	p0 =	sne.s32 s2, $0x0  }
0xa7: {  	s3 =	rddreg [dreg:$0x2];
	[bflag:$0x3] =	sbarrier.arrive $0xFFFF;
	s2 =	simm.s32 @!p0 $0x1C04  }
0xa8: {  	[timem:s3], [sflag:s2] =	dma.local @!p0 [hbm:s0], s1  }
0xa9: {  	s0 =	simm.s32 @!p0 $0x4  }
0xaa: {  	_ =	swait.ge @!p0 [sflag:s0], s1  }
0xab: {  	s1 =	ssub.s32 @!p0 $0x0, s1;
	[sflag:s0] =	ssyncset.done @!p0 $0x0  }
0xac: {  	[sflag:s0] =	ssyncadd.s32 @!p0 s1  }
0xad: {  	[bflag:$0x3] =	sbarrier.arrive $0xFFFF  }
0xae: {  	_ =	shalt  }

</sc_bundles>
